<compile_context>
chip_gen: v7x
topology: tpu7x:2x2x1
jax: 0.10.2.dev20260603
libtpu: 0.0.44.dev20260713+nightly
codegen_flags: <defaults>
</compile_context>

<pallas_src>
import functools

import jax
import jax.numpy as jnp
from jax import lax
from jax.experimental import pallas as pl
from jax.experimental.pallas import tpu as pltpu
from jax.experimental.pallas import tpu_sc as plsc




def _table_body(countsT_ref, mask_ref, out_ref):
    c = countsT_ref[...]
    nclass = c.shape[0]
    colmax = jnp.max(c, axis=0, keepdims=True)
    io = lax.broadcasted_iota(jnp.int32, c.shape, 0)
    first = jnp.min(jnp.where(c >= colmax, io, nclass), axis=0)
    out_ref[...] = jnp.where(mask_ref[...] != 0, first, 1)


def _build_table(countsT, mask_i32):
    C, V = countsT.shape
    BV = 8192
    nb = pl.cdiv(V, BV)
    return pl.pallas_call(
        _table_body,
        grid=(nb,),
        in_specs=[
            pl.BlockSpec((C, BV), lambda i: (0, i)),
            pl.BlockSpec((BV,), lambda i: (i,)),
        ],
        out_specs=pl.BlockSpec((BV,), lambda i: (i,)),
        out_shape=jax.ShapeDtypeStruct((V,), jnp.int32),
    )(countsT, mask_i32)




def _sc_gather(table_flat, idx_flat):
    (V,) = table_flat.shape
    (NT,) = idx_flat.shape
    info = plsc.get_sparse_core_info()
    NC, NS, L = info.num_cores, info.num_subcores, info.num_lanes
    NW = NC * NS
    bpw = NT // NW
    mesh = plsc.VectorSubcoreMesh(core_axis_name="c", subcore_axis_name="s")

    @functools.partial(
        pl.kernel,
        mesh=mesh,
        compiler_params=pltpu.CompilerParams(needs_layout_passes=False),
        out_type=jax.ShapeDtypeStruct((NT,), jnp.int32),
        scratch_types=[
            pltpu.VMEM((V,), jnp.int32),
            pltpu.VMEM((bpw,), jnp.int32),
            pltpu.VMEM((bpw,), jnp.int32),
        ],
    )
    def gather_k(table_hbm, idx_hbm, out_hbm, table_v, idx_v, out_v):
        wid = lax.axis_index("s") * NC + lax.axis_index("c")
        base = wid * bpw
        pltpu.sync_copy(table_hbm, table_v)
        pltpu.sync_copy(idx_hbm.at[pl.ds(base, bpw)], idx_v)

        def body(i, carry):
            ids = idx_v[pl.ds(i * L, L)]
            out_v[pl.ds(i * L, L)] = plsc.load_gather(table_v, [ids])
            return carry

        lax.fori_loop(0, bpw // L, body, 0)
        pltpu.sync_copy(out_v, out_hbm.at[pl.ds(base, bpw)])

    return gather_k(table_flat, idx_flat)




def _onehot_body(pred_ref, out_ref):
    p = pred_ref[...]
    io = lax.broadcasted_iota(jnp.int32, out_ref.shape, 0)
    out_ref[...] = (p[None, :, :] == io).astype(jnp.float32)


def _build_onehot(predsT, C):
    T, N = predsT.shape
    BT = 8
    nb = T // BT
    return pl.pallas_call(
        _onehot_body,
        grid=(nb,),
        in_specs=[pl.BlockSpec((BT, N), lambda i: (i, 0))],
        out_specs=pl.BlockSpec((C, BT, N), lambda i: (0, i, 0)),
        out_shape=jax.ShapeDtypeStruct((C, T, N), jnp.float32),
    )(predsT)




def kernel(x, y, counts, known_mask):
    n, t = x.shape
    V, C = counts.shape
    NT = n * t
    countsT = counts.T
    mask_i32 = known_mask.astype(jnp.int32)
    table = _build_table(countsT, mask_i32)
    xT_flat = x.T.reshape(NT)
    preds = _sc_gather(table, xT_flat)
    predsT = preds.reshape(t, n)
    logitsT = _build_onehot(predsT, C)
    logits = jnp.transpose(logitsT, (2, 1, 0))
    y_hat = predsT.T
    return (logits, y, y_hat)

# --- scband reference (transcript-rebuilt; emitter-appended) ---
"""Pipeline reference for scband-word-majority-7310034338234 (READ-ONLY COPY).

The authoritative reference and input builder live on the scoring server;
editing this copy changes nothing except your own understanding.
"""

import jax, jax.numpy as jnp
import numpy as np

N = 1024   # batch
T = 200    # sequence length
V = 100000 # word vocab size
C = 50     # nr_classes = len(index_to_tag)


def setup_inputs(seed: int = 0) -> dict:
    key = jax.random.key(seed)
    k1, k2, k3, k4 = jax.random.split(key, 4)
    x = jax.random.randint(k1, (N, T), 0, V)
    y = jax.random.randint(k2, (N, T), 0, C)
    # majorityClass stats materialized as a dense count table [V, C]
    counts = jax.random.uniform(k3, (V, C), minval=0.0, maxval=1000.0, dtype=jnp.float32)
    # words not present in the stats dict fall back to class 1
    known_mask = jax.random.bernoulli(k4, 0.9, (V,))
    return {"x": x, "y": y, "counts": counts, "known_mask": known_mask}


def reference(x, y, counts, known_mask):
    n, t = x.shape
    nr_classes = counts.shape[1]
    flat = x.reshape(-1)
    # dict lookup of per-word class counts -> row gather from the count table
    word_counts = jnp.take(counts, flat, axis=0)            # [N*T, C]
    # max(majorityClass[word], key=get) -> argmax over class counts
    maj = jnp.argmax(word_counts, axis=1)                   # [N*T]
    # unknown word -> default prediction 1
    preds = jnp.where(jnp.take(known_mask, flat), maj, 1)   # [N*T]
    # logits[arange, preds] = 1 -> one-hot scatter-overwrite
    logits = jnp.zeros((n * t, nr_classes), dtype=jnp.float32)
    logits = logits.at[jnp.arange(n * t), preds].set(1.0)
    logits = logits.reshape(n, t, nr_classes)
    y_hat = jnp.argmax(logits, axis=-1)
    return (logits, y, y_hat)

if __name__ == "__main__":
    import jax
    _d = setup_inputs()
    print(jax.jit(kernel)(*tuple(_d.values())))

</pallas_src>

<mosaic_0001>
#map = affine_map<(d0, d1) -> (0)>
module attributes {stable_mosaic.version = 14 : i64} {
  func.func @gather_k(%arg0: i32, %arg1: i32, %arg2: memref<100000xi32, #tpu.memory_space<hbm>>, %arg3: memref<204800xi32, #tpu.memory_space<hbm>>, %arg4: memref<204800xi32, #tpu.memory_space<hbm>>, %arg5: memref<100000xi32, #tpu.memory_space<vmem>>, %arg6: memref<6400xi32, #tpu.memory_space<vmem>>, %arg7: memref<6400xi32, #tpu.memory_space<vmem>>) attributes {dimension_semantics = [#tpu.dimension_semantics<core_parallel>, #tpu.dimension_semantics<subcore_parallel>], iteration_bounds = array<i64: 2, 16>, scalar_prefetch = 0 : i64, scratch_operands = 3 : i64, tpu.core_type = #tpu.core_type<sc_vector_subcore>, window_params = [{transform_indices = #map}, {transform_indices = #map}, {transform_indices = #map}]} {
    %mul3A = arith.constant 2 : i32
    %mul3A_0 = arith.muli %arg1, %mul3A : i32
    %add3A = arith.addi %mul3A_0, %arg0 : i32
    %mul3A_1 = arith.constant 6400 : i32
    %mul3A_2 = arith.muli %add3A, %mul3A_1 : i32
    "tpu.region"() ({
      %run_scoped3A = tpu.sem_alloc : memref<!tpu.dma_semaphore, #tpu.memory_space<semaphore_mem>>
      tpu.enqueue_dma source(%arg2 : memref<100000xi32, #tpu.memory_space<hbm>>) target(%arg5 : memref<100000xi32, #tpu.memory_space<vmem>>) target_semaphore(%run_scoped3A : memref<!tpu.dma_semaphore, #tpu.memory_space<semaphore_mem>>)
      tpu.wait_dma2 semaphore(%run_scoped3A : memref<!tpu.dma_semaphore, #tpu.memory_space<semaphore_mem>>) src(%arg2 : memref<100000xi32, #tpu.memory_space<hbm>>) dst(%arg5 : memref<100000xi32, #tpu.memory_space<vmem>>)
      tpu.yield
    }) : () -> ()
    "tpu.region"() ({
      %run_scoped3A = tpu.sem_alloc : memref<!tpu.dma_semaphore, #tpu.memory_space<semaphore_mem>>
      %dma_start3A = tpu.memref_slice %arg3[%mul3A_2] : memref<204800xi32, #tpu.memory_space<hbm>> -> memref<6400xi32, #tpu.memory_space<hbm>>
      %dma_start3A_8 = tpu.memref_slice %arg3[%mul3A_2] : memref<204800xi32, #tpu.memory_space<hbm>> -> memref<6400xi32, #tpu.memory_space<hbm>>
      tpu.enqueue_dma source(%dma_start3A_8 : memref<6400xi32, #tpu.memory_space<hbm>>) target(%arg6 : memref<6400xi32, #tpu.memory_space<vmem>>) target_semaphore(%run_scoped3A : memref<!tpu.dma_semaphore, #tpu.memory_space<semaphore_mem>>)
      %dma_wait3A = tpu.memref_slice %arg3[%mul3A_2] : memref<204800xi32, #tpu.memory_space<hbm>> -> memref<6400xi32, #tpu.memory_space<hbm>>
      %dma_wait3A_9 = tpu.memref_slice %arg3[%mul3A_2] : memref<204800xi32, #tpu.memory_space<hbm>> -> memref<6400xi32, #tpu.memory_space<hbm>>
      tpu.wait_dma2 semaphore(%run_scoped3A : memref<!tpu.dma_semaphore, #tpu.memory_space<semaphore_mem>>) src(%dma_wait3A_9 : memref<6400xi32, #tpu.memory_space<hbm>>) dst(%arg6 : memref<6400xi32, #tpu.memory_space<vmem>>)
      tpu.yield
    }) : () -> ()
    %scan3A = arith.constant 0 : i32
    %scan3A_3 = arith.constant 0 : i32
    %scan3A_4 = arith.constant 400 : i32
    %scan3A_5 = arith.addi %scan3A_3, %scan3A_4 : i32
    %scan3A_6 = arith.constant 1 : i32
    scf.for %scan3A_8 = %scan3A_3 to %scan3A_5 step %scan3A_6  : i32 {
      %mul3A_9 = arith.constant 16 : i32
      %mul3A_10 = arith.muli %scan3A_8, %mul3A_9 : i32
      %get3A = arith.index_cast %mul3A_10 : i32 to index
      %get3A_11 = tpu.vector_load %arg6[%get3A] {strides = array<i32>} : memref<6400xi32, #tpu.memory_space<vmem>>, vector<16xi32>,
      %gather3A = tpu.vector_load_idx %arg5[%get3A_11] : memref<100000xi32, #tpu.memory_space<vmem>>[vector<16xi32>], vector<16xi32>,
      %mul3A_12 = arith.constant 16 : i32
      %mul3A_13 = arith.muli %scan3A_8, %mul3A_12 : i32
      %swap3A = arith.index_cast %mul3A_13 : i32 to index
      %swap3A_14 = tpu.vector_load %arg7[%swap3A] {strides = array<i32>} : memref<6400xi32, #tpu.memory_space<vmem>>, vector<16xi32>,
      tpu.vector_store %arg7[%swap3A], %gather3A {strides = array<i32>} : memref<6400xi32, #tpu.memory_space<vmem>>, vector<16xi32>,
    }
    %scan3A_7 = arith.constant 400 : i32
    "tpu.region"() ({
      %run_scoped3A = tpu.sem_alloc : memref<!tpu.dma_semaphore, #tpu.memory_space<semaphore_mem>>
      %dma_start3A = tpu.memref_slice %arg4[%mul3A_2] : memref<204800xi32, #tpu.memory_space<hbm>> -> memref<6400xi32, #tpu.memory_space<hbm>>
      %dma_start3A_8 = tpu.memref_slice %arg4[%mul3A_2] : memref<204800xi32, #tpu.memory_space<hbm>> -> memref<6400xi32, #tpu.memory_space<hbm>>
      tpu.enqueue_dma source(%arg7 : memref<6400xi32, #tpu.memory_space<vmem>>) target(%dma_start3A_8 : memref<6400xi32, #tpu.memory_space<hbm>>) target_semaphore(%run_scoped3A : memref<!tpu.dma_semaphore, #tpu.memory_space<semaphore_mem>>)
      %dma_wait3A = tpu.memref_slice %arg4[%mul3A_2] : memref<204800xi32, #tpu.memory_space<hbm>> -> memref<6400xi32, #tpu.memory_space<hbm>>
      %dma_wait3A_9 = tpu.memref_slice %arg4[%mul3A_2] : memref<204800xi32, #tpu.memory_space<hbm>> -> memref<6400xi32, #tpu.memory_space<hbm>>
      tpu.wait_dma2 semaphore(%run_scoped3A : memref<!tpu.dma_semaphore, #tpu.memory_space<semaphore_mem>>) src(%arg7 : memref<6400xi32, #tpu.memory_space<vmem>>) dst(%dma_wait3A_9 : memref<6400xi32, #tpu.memory_space<hbm>>)
      tpu.yield
    }) : () -> ()
    return
  }
}

module attributes {stable_mosaic.version = 14 : i64} {
  func.func @_table_body(%arg0: i32, %arg1: memref<50x8192xf32, #tpu.memory_space<vmem>>, %arg2: memref<8192xi32, #tpu.memory_space<vmem>>, %arg3: memref<8192xi32, #tpu.memory_space<vmem>>) attributes {dimension_semantics = [#tpu.dimension_semantics<arbitrary>], iteration_bounds = array<i64: 13>, scalar_prefetch = 0 : i64, scratch_operands = 0 : i64, tpu.core_type = #tpu.core_type<tc>, window_params = [{transform_indices = @transform_0, window_bounds = array<i64: 50, 8192>}, {transform_indices = @transform_1, window_bounds = array<i64: 8192>}, {transform_indices = @transform_2, window_bounds = array<i64: 8192>}]} {
    %get3A = arith.constant 0 : index
    %get3A_0 = arith.constant 0 : index
    %get3A_1 = vector.load %arg1[%get3A, %get3A_0] : memref<50x8192xf32, #tpu.memory_space<vmem>>, vector<50x8192xf32>
    %reduce_max3A = arith.constant dense<0xFF800000> : vector<8192xf32>
    %reduce_max3A_2 = vector.multi_reduction <maximumf>, %get3A_1, %reduce_max3A [0] : vector<50x8192xf32> to vector<8192xf32>
    %broadcast_in_dim3A = vector.shape_cast %reduce_max3A_2 : vector<8192xf32> to vector<1x8192xf32>
    %iota3A = tpu.iota {dimensions = array<i32: 0>} : vector<50x8192xi32>
    %ge3A = vector.broadcast %broadcast_in_dim3A : vector<1x8192xf32> to vector<50x8192xf32>
    %ge3A_3 = arith.cmpf oge, %get3A_1, %ge3A : vector<50x8192xf32>
    %jit3A = arith.constant 50 : i32
    %broadcast_in_dim3A_4 = vector.broadcast %jit3A : i32 to vector<50x8192xi32>
    %select_n3A = arith.select %ge3A_3, %iota3A, %broadcast_in_dim3A_4 : vector<50x8192xi1>, vector<50x8192xi32>
    %reduce_min3A = arith.constant dense<2147483647> : vector<8192xi32>
    %reduce_min3A_5 = vector.multi_reduction <minsi>, %select_n3A, %reduce_min3A [0] : vector<50x8192xi32> to vector<8192xi32>
    %get3A_6 = arith.constant 0 : index
    %get3A_7 = vector.load %arg2[%get3A_6] : memref<8192xi32, #tpu.memory_space<vmem>>, vector<8192xi32>
    %ne3A = arith.constant 0 : i32
    %ne3A_8 = vector.broadcast %ne3A : i32 to vector<8192xi32>
    %ne3A_9 = arith.cmpi ne, %get3A_7, %ne3A_8 : vector<8192xi32>
    %jit3A_10 = arith.constant 1 : i32
    %broadcast_in_dim3A_11 = vector.broadcast %jit3A_10 : i32 to vector<8192xi32>
    %select_n3A_12 = arith.select %ne3A_9, %reduce_min3A_5, %broadcast_in_dim3A_11 : vector<8192xi1>, vector<8192xi32>
    %swap3A = arith.constant 0 : index
    %swap3A_13 = vector.load %arg3[%swap3A] : memref<8192xi32, #tpu.memory_space<vmem>>, vector<8192xi32>
    tpu.vector_store %arg3[%swap3A], %select_n3A_12 {strides = array<i32>} : memref<8192xi32, #tpu.memory_space<vmem>>, vector<8192xi32>,
    return
  }
  func.func @transform_0(%arg0: i32) -> (i32, i32) {
    %c0_i32 = arith.constant 0 : i32
    %c0_i32_0 = arith.constant 0 : i32
    return %c0_i32, %arg0 : i32, i32
  }
  func.func @transform_1(%arg0: i32) -> i32 {
    %c0_i32 = arith.constant 0 : i32
    return %arg0 : i32
  }
  func.func @transform_2(%arg0: i32) -> i32 {
    %c0_i32 = arith.constant 0 : i32
    return %arg0 : i32
  }
}

module attributes {stable_mosaic.version = 14 : i64} {
  func.func @_onehot_body(%arg0: i32, %arg1: memref<8x1024xi32, #tpu.memory_space<vmem>>, %arg2: memref<50x8x1024xf32, #tpu.memory_space<vmem>>) attributes {dimension_semantics = [#tpu.dimension_semantics<arbitrary>], iteration_bounds = array<i64: 25>, scalar_prefetch = 0 : i64, scratch_operands = 0 : i64, tpu.core_type = #tpu.core_type<tc>, window_params = [{transform_indices = @transform_0, window_bounds = array<i64: 8, 1024>}, {transform_indices = @transform_1, window_bounds = array<i64: 50, 8, 1024>}]} {
    %get3A = arith.constant 0 : index
    %get3A_0 = arith.constant 0 : index
    %get3A_1 = vector.load %arg1[%get3A, %get3A_0] : memref<8x1024xi32, #tpu.memory_space<vmem>>, vector<8x1024xi32>
    %iota3A = tpu.iota {dimensions = array<i32: 0>} : vector<50x8x1024xi32>
    %broadcast_in_dim3A = vector.shape_cast %get3A_1 : vector<8x1024xi32> to vector<1x8x1024xi32>
    %eq3A = vector.broadcast %broadcast_in_dim3A : vector<1x8x1024xi32> to vector<50x8x1024xi32>
    %eq3A_2 = arith.cmpi eq, %eq3A, %iota3A : vector<50x8x1024xi32>
    %convert_element_type3A = arith.extui %eq3A_2 : vector<50x8x1024xi1> to vector<50x8x1024xi32>
    %convert_element_type3A_3 = arith.sitofp %convert_element_type3A : vector<50x8x1024xi32> to vector<50x8x1024xf32>
    %swap3A = arith.constant 0 : index
    %swap3A_4 = arith.constant 0 : index
    %swap3A_5 = arith.constant 0 : index
    %swap3A_6 = vector.load %arg2[%swap3A, %swap3A_4, %swap3A_5] : memref<50x8x1024xf32, #tpu.memory_space<vmem>>, vector<50x8x1024xf32>
    tpu.vector_store %arg2[%swap3A, %swap3A_4, %swap3A_5], %convert_element_type3A_3 {strides = array<i32>} : memref<50x8x1024xf32, #tpu.memory_space<vmem>>, vector<50x8x1024xf32>,
    return
  }
  func.func @transform_0(%arg0: i32) -> (i32, i32) {
    %c0_i32 = arith.constant 0 : i32
    %c0_i32_0 = arith.constant 0 : i32
    return %arg0, %c0_i32 : i32, i32
  }
  func.func @transform_1(%arg0: i32) -> (i32, i32, i32) {
    %c0_i32 = arith.constant 0 : i32
    %c0_i32_0 = arith.constant 0 : i32
    %c0_i32_1 = arith.constant 0 : i32
    return %c0_i32, %arg0, %c0_i32_0 : i32, i32, i32
  }
}

</mosaic_0001>

<sc_bundles>
// kernel: kernel.5.cloned.1.call-start
scs
__scs_entry_jumppad:
0x0: {  	(pc) =	sbr.rel $0x88, $3  }
0x1: {  	(tag) =	ssettag $0x0;
	lr =	simm.s32 $0x1  }
0x2: {  	[smem:$0x3F9D] =	sst lr;
	_ =	strace $0xD0000000  }
0x3: {  	_ = 	snop  }
0x4: {  	_ = 	snop  }
0x5: {  	_ = 	snop  }
0x6: {  	_ = 	snop  }
0x7: {  	_ = 	snop  }
__scs_overlays_trampoline_lowered:
0x8: {  	[smem:$0x3FAC] =	sst s0  }
0x9: {  	[smem:$0x3FAD] =	sst s1  }
0xa: {  	[smem:$0x3FAE] =	sst s2  }
0xb: {  	[smem:$0x3FAF] =	sst s3  }
0xc: {  	[smem:$0x3FB0] =	sst s4  }
0xd: {  	[smem:$0x3FB1] =	sst s5  }
0xe: {  	[smem:$0x3FB2] =	sst s6  }
0xf: {  	[smem:$0x3FB3] =	sst s7  }
0x10: {  	[smem:$0x3FB4] =	sst s8  }
0x11: {  	[smem:$0x3FB5] =	sst s9;
	s0 =	simm.s32 @!p0 $0x0  }
0x12: {  	s1 =	sld [smem:$0x3F9B];
	s0 =	simm.s32 @p0 $0x1  }
0x13: {  	[smem:$0x3FB6] =	sst s0;
	s0 =	simm.s32 @!p1 $0x0  }
0x14: {  	s2 =	sld [smem:$0x3F9A];
	s0 =	simm.s32 @p1 $0x1  }
0x15: {  	[smem:$0x3FB7] =	sst s0;
	s0 =	simm.s32 @!p2 $0x0  }
0x16: {  	s3 =	sld [smem:$0x3FDB];
	s0 =	simm.s32 @p2 $0x1  }
0x17: {  	s4 =	simm.s32 $0x1BF5;
	[smem:$0x3FB9] =	sst s0  }
0x18: {  	s0 =	sld [smem:$0x3F9C];
	_ =	swait.ge [sflag:s4], $0x0  }
0x19: {  	s7 =	sld [smem:$0x3F9D]  }
0x1a: {  	s8 =	sadd.s32 $0xFFFFE003, lr  }
0x1b: {  	s9 =	sadd.s32 $0xFFFFFEF7, lr;
	s5 =	simm.s32 $0xFFFFFFFF;
	p2 =	slt.u32 s8, $0xFFFFF086  }
0x1c: {  	p1 =	slt.u32 s9, $0xF7A;
	s5 =	simm.s32 @!p2 $0x0  }
0x1d: {  	s5 =	simm.s32 @p1 $0x1;
	p0 =	seq.s32 s7, s2  }
0x1e: {  	s7 =	smul.u32 @!p0 $0xF7A, s2;
	p2 =	seq.s32 @!p0 s5, $0x0  }
0x1f: {  	s9 =	smul.u32 $0xF7A, s1;
	s8 =	simm.s32 @!p0 $0x1BF5;
	p2 =	por !p2, p0  }
0x20: {  	[sflag:s8] =	ssyncset.s32 @!p0 $0xFFFFF086;
	s6 =	sadd.s32 @!p0 s3, s7;
	s7 =	simm.s32 @!p0 $0x108  }
0x21: {  	s3 =	sadd.s32 s3, s9;
	s6 =	sadd.s32 @!p0 $0x88, s6;
	s7 =	simm.s32 @p2 $0x1082  }
0x22: {  	[simem:s7], [sflag:s8] =	dma.local @!p0 [hbm:s6], $0xF7A  }
0x23: {  	s9 =	sor.u32 $0xD0000000, s2;
	s6 =	simm.s32 $0x108;
	_ =	swait.ge @!p0 [sflag:s8], $0x0  }
0x24: {  	s3 =	sadd.s32 $0x88, s3;
	s6 =	simm.s32 @!p1 $0x1082;
	[sflag:s4] =	ssyncset.s32 $0xFFFFF086  }
0x25: {  	[simem:s6], [sflag:s4] =	dma.local [hbm:s3], $0xF7A  }
0x26: {  	[smem:$0x3F9D] =	sst s1;
	(tag) =	ssettag s2;
	_ =	strace s9  }
0x27: {  	s1 =	sld [smem:$0x3FAD]  }
0x28: {  	s2 =	sld [smem:$0x3FAE]  }
0x29: {  	s4 =	sld [smem:$0x3FB0]  }
0x2a: {  	p0 =	seq.s32 s5, $0x0;
	s5 =	sld [smem:$0x3FB1]  }
0x2b: {  	s6 =	sld [smem:$0x3FB2]  }
0x2c: {  	s7 =	sld [smem:$0x3FB3]  }
0x2d: {  	s3 =	simm.s32 $0x108;
	s8 =	sld [smem:$0x3FB4]  }
0x2e: {  	s3 =	simm.s32 @!p0 $0x1082;
	s9 =	sld [smem:$0x3FB5]  }
0x2f: {  	lr =	sadd.s32 s0, s3;
	s0 =	sld [smem:$0x3FAC]  }
0x30: {  	s3 =	sld [smem:$0x3FAF]  }
0x31: {  	[smem:$0x3FB8] =	sst s10  }
0x32: {  	s10 =	sld [smem:$0x3FB6];
	_ =	sdelay $0x3  }
0x33: {  	p0 =	seq.s32 s10, $0x1;
	s10 =	sld [smem:$0x3FB8];
	_ =	sdelay $0x3  }
0x34: {  	[smem:$0x3FB8] =	sst s10  }
0x35: {  	s10 =	sld [smem:$0x3FB7];
	_ =	sdelay $0x3  }
0x36: {  	p1 =	seq.s32 s10, $0x1;
	s10 =	sld [smem:$0x3FB8];
	_ =	sdelay $0x3  }
0x37: {  	[smem:$0x3FB8] =	sst s10  }
0x38: {  	s10 =	sld [smem:$0x3FB9]  }
0x39: {  	_ = 	snop;
	(pc) =	sbr.ind lr, $3  }
0x3a: {  	_ = 	snop  }
0x3b: {  	_ = 	snop  }
0x3c: {  	p2 =	seq.s32 s10, $0x1;
	s10 =	sld [smem:$0x3FB8]  }
0x3d: {  	_ =	shalt  }
0x3e: {  	_ =	shalt  }
0x3f: {  	_ =	shalt  }
0x40: {  	_ =	shalt  }
0x41: {  	_ =	shalt  }
0x42: {  	_ =	shalt  }
0x43: {  	_ =	shalt  }
0x44: {  	_ =	shalt  }
0x45: {  	_ =	shalt  }
0x46: {  	_ =	shalt  }
0x47: {  	_ =	shalt  }
0x48: {  	_ =	shalt  }
0x49: {  	_ =	shalt  }
0x4a: {  	_ =	shalt  }
0x4b: {  	_ =	shalt  }
0x4c: {  	_ =	shalt  }
0x4d: {  	_ =	shalt  }
0x4e: {  	_ =	shalt  }
0x4f: {  	_ =	shalt  }
0x50: {  	_ =	shalt  }
0x51: {  	_ =	shalt  }
0x52: {  	_ =	shalt  }
0x53: {  	_ =	shalt  }
0x54: {  	_ =	shalt  }
0x55: {  	_ =	shalt  }
0x56: {  	_ =	shalt  }
0x57: {  	_ =	shalt  }
0x58: {  	_ =	shalt  }
0x59: {  	_ =	shalt  }
0x5a: {  	_ =	shalt  }
0x5b: {  	_ =	shalt  }
0x5c: {  	_ =	shalt  }
0x5d: {  	_ =	shalt  }
0x5e: {  	_ =	shalt  }
0x5f: {  	_ =	shalt  }
0x60: {  	_ =	shalt  }
0x61: {  	_ =	shalt  }
0x62: {  	_ =	shalt  }
0x63: {  	_ =	shalt  }
0x64: {  	_ =	shalt  }
0x65: {  	_ =	shalt  }
0x66: {  	_ =	shalt  }
0x67: {  	_ =	shalt  }
0x68: {  	_ =	shalt  }
0x69: {  	_ =	shalt  }
0x6a: {  	_ =	shalt  }
0x6b: {  	_ =	shalt  }
0x6c: {  	_ =	shalt  }
0x6d: {  	_ =	shalt  }
0x6e: {  	_ =	shalt  }
0x6f: {  	_ =	shalt  }
0x70: {  	_ =	shalt  }
0x71: {  	_ =	shalt  }
0x72: {  	_ =	shalt  }
0x73: {  	_ =	shalt  }
0x74: {  	_ =	shalt  }
0x75: {  	_ =	shalt  }
0x76: {  	_ =	shalt  }
0x77: {  	_ =	shalt  }
0x78: {  	_ =	shalt  }
0x79: {  	_ =	shalt  }
0x7a: {  	_ =	shalt  }
0x7b: {  	_ =	shalt  }
0x7c: {  	_ =	shalt  }
0x7d: {  	_ =	shalt  }
0x7e: {  	_ =	shalt  }
0x7f: {  	_ =	shalt  }
0x80: {  	_ =	shalt  }
0x81: {  	_ =	shalt  }
0x82: {  	_ =	shalt  }
0x83: {  	_ =	shalt  }
0x84: {  	_ =	shalt  }
0x85: {  	_ =	shalt  }
0x86: {  	_ =	shalt  }
0x87: {  	_ =	shalt  }
.Lfunc_end0:
.L_simem_size_0:
called_computation_lowered:
.L_overlay_start_0:
0x88: {  	s2 =	sld [smem:$0x3FD9]  }
0x89: {  	s3 =	sld [smem:$0x3FFE];
	_ =	sdelay $0x1  }
0x8a: {  	s1 =	srdreg.scid  }
0x8b: {  	s0 =	sand.u32 $0x1, s1  }
0x8c: {  	s15 =	sshll.u32 s0, $0xA;
	s2 =	sadd.s32 s3, s2  }
0x8d: {  	s2 =	sadd.s32 s2, s15  }
0x8e: {  	[smem:$0x3FC4] =	sst s2  }
0x8f: {  	_ = 	snop  }
0x90: {  	s2 =	sld [smem:$0x3FD0];
	_ =	sdelay $0x2  }
0x91: {  	s16 =	simm.s32 $0xA;
	s4 =	simm.s32 $0x10  }
0x92: {  	[smem:s4], [sflag:s16] =	dma.local [hbm:s2], $0x1  }
0x93: {  	_ =	swait.eq [sflag:s16], $0x1  }
0x94: {  	s17 =	sld [smem:$0x10];
	[sflag:s16] =	ssyncset.done $0x0  }
0x95: {  	s18 =	sld [smem:$0x11];
	[sflag:s16] =	ssyncadd.s32 $0xFFFFFFFF  }
0x96: {  	s19 =	sld [smem:$0x12];
	(tm) =	ssettm $0x1  }
0x97: {  	s5 =	sld [smem:$0x3FFB];
	_ =	sdelay $0x3  }
0x98: {  	_ =	strace s5  }
0x99: {  	s5 =	sld [smem:$0x3FFC];
	_ =	sdelay $0x3  }
0x9a: {  	_ =	strace s5  }
0x9b: {  	s5 =	sld [smem:$0x3FFD];
	_ =	sdelay $0x3  }
0x9c: {  	_ =	strace s5  }
0x9d: {  	_ =	strace $0x8FFFFFFF  }
0x9e: {  	s20 =	sld [smem:$0x3FDB];
	_ =	sdelay $0x1  }
0x9f: {  	s6 =	simm.s32 $_scs_section_size  }
0xa0: {  	s7 =	simm.s32 $_size__tile_overlayer_lowered;
	s8 =	simm.s32 $_tile_overlayer_lowered  }
0xa1: {  	s23 =	simm.s32 $0x1BFF;
	s22 =	sshll.u32 s8, $0x1;
	s5 =	sadd.s32 s6, s20  }
0xa2: {  	s9 =	simm.s32 $0x0;
	s21 =	sshll.u32 s7, $0x1;
	s7 =	sadd.s32 s22, s5  }
0xa3: {  	[timem:s9], [sflag:s23] =	dma.local [hbm:s7], s21  }
0xa4: {  	_ =	swait.ge [sflag:s23], s21  }
0xa5: {  	s6 =	ssub.s32 $0x0, s21;
	[sflag:s23] =	ssyncset.done $0x0  }
0xa6: {  	[sflag:s23] =	ssyncadd.s32 s6;
	_ =	sdelay $0x1  }
0xa7: {  	s24 =	simm.s32 $0x1B8B  }
0xa8: {  	_ =	swait.ge [sflag:s24], $0x1  }
0xa9: {  	[sflag:s24] =	ssyncset.done $0x0  }
0xaa: {  	s25 =	simm.s32 $0x1B8E;
	[sflag:s24] =	ssyncadd.s32 $0xFFFFFFFF  }
0xab: {  	s26 =	simm.s32 $execute0_lowered;
	[smem:$0x3FD2] =	sst s25  }
0xac: {  	s6 =	sshll.u32 s26, $0x1;
	_ =	strace $0x80000046;
	[dreg:$0x1] =	wrdreg $0xFFFFFFFF  }
0xad: {  	s28 =	simm.s32 $_size_execute0_lowered;
	s5 =	sadd.s32 s5, s6;
	[dreg:$0x0] =	wrdreg $0x0  }
0xae: {  	s6 =	sshll.u32 s28, $0x1;
	[dreg:$0x2] =	wrdreg s5  }
0xaf: {  	[dreg:$0x3] =	wrdreg s6  }
0xb0: {  	[dreg:$0x4] =	wrdreg $0xC0  }
0xb1: {  	_ =	task [dreg:s9], $0x5FFFF  }
0xb2: {  	[dreg:$0x1] =	wrdreg $0xFFFFFFFF  }
0xb3: {  	[dreg:$0x0] =	wrdreg $0x60  }
0xb4: {  	[dreg:$0x2] =	wrdreg s17  }
0xb5: {  	[dreg:$0x3] =	wrdreg s19  }
0xb6: {  	[dreg:$0x4] =	wrdreg s18  }
0xb7: {  	[dreg:$0x5] =	wrdreg $0x9  }
0xb8: {  	_ =	task.clear_ibuf [dreg:s9], $0x6FFFF;
	_ =	strace $0x90000046  }
0xb9: {  	s29 =	simm.s32 $0x9;
	_ =	strace $0x80000048  }
0xba: {  	_ =	swait.ge [sflag:s29], $0x1  }
0xbb: {  	[sflag:s29] =	ssyncadd.s32 $0xFFFFFFFF  }
0xbc: {  	_ =	strace $0x90000048  }
0xbd: {  	_ =	sfence  }
0xbe: {  	s30 =	sld [smem:$0x0];
	_ =	sdelay $0x2  }
0xbf: {  	s31 =	sshll.u32 s1, $0xD;
	s1 =	sshrl.u32 s1, $0x2  }
0xc0: {  	s3 =	sand.u32 $0x4000, s31;
	s1 =	sadd.s32 s1, s30  }
0xc1: {  	s0 =	sor.u32 s3, s0;
	s1 =	sshll.u32 s1, $0x11  }
0xc2: {  	s0 =	sor.u32 s1, s0  }
0xc3: {  	s0 =	sadd.s32 $0x8F2B, s0  }
0xc4: {  	[sflag:s0] =	ssyncadd.remote.s32 $0x1  }
0xc5: {  	_ =	sfence.sel $0xFFFF  }
0xc6: {  	[dreg:$0x0] =	wrdreg $0xFFFFFFFF;
	(pc) =	sbr.abs _section_cstart, $3  }
0xc7: {  	[dreg:$0x1] =	wrdreg $0xFFFFFFFF  }
0xc8: {  	_ =	task.clear_ibuf [dreg:s9], $0x2FFFF;
	_ =	strace $0x9FFFFFFF  }
0xc9: {  	(tm) =	ssettm $0x7FFFFFFF  }
tec
execute0_lowered:
.L_overlay_start_1:
0x0: {  	(tag) =	ssettag $0x1  }
0x1: {  	s1 =	rddreg [dreg:$0x0]  }
0x2: {  	s4 =	rddreg [dreg:$0x1];
	s2 =	srdreg.scid  }
0x3: {  	s0 =	stileid.u32;
	s5 =	rddreg [dreg:$0x2]  }
0x4: {  	s9 =	simm.s32 $0x1A000;
	s6 =	sand.u32 $0x1, s2;
	s3 =	sshll.u32 s0, $0x1  }
0x5: {  	s10 =	simm.s32 $0x0;
	s7 =	sor.u32 s6, s3;
	s3 =	simm.s32 $0x0  }
0x6: {  	s6 =	ssub.s32 $0x2, s6;
	s7 =	smul.u32 $0x320, s7;
	[smem:$0x7FF] =	sst s3  }
0x7: {  	s2 =	rddreg [dreg:$0x3];
	s8 =	sshrl.u32 s6, $0x1;
	_ =	strace $0x80000047  }
0x8: {  	s6 =	ssub.s32 s6, s8;
	s8 =	simm.s32 $0x18700;
	s4 =	sadd.s32 s4, s7  }
0x9: {  	s5 =	sadd.s32 s5, s7;
	s6 =	smax.u32 s6, $0x1;
	s7 =	simm.s32 $0x1  }
.LBB2_1:
0xa: {  	[tilespmem:s3], [sflag:$0x1] =	stream.linear.gather [hbm4b:s1+s3], $0x18700, $0x38;
	[tilespmem:$0x1B900] =	vst v63  }
0xb: {  	_ =	swait.ge [sflag:s7], $0x18700  }
0xc: {  	[sflag:s7] =	ssyncset.done $0x0  }
0xd: {  	[sflag:s7] =	ssyncadd.s32 $0xFFFE7900  }
0xe: {  	[tilespmem:s8], [sflag:$0x1] =	stream.linear.gather [hbm4b:s4+s3], $0x1900, $0x38;
	[tilespmem:$0x1B900] =	vst v63  }
0xf: {  	_ =	swait.ge [sflag:s7], $0x1900  }
0x10: {  	[sflag:s7] =	ssyncset.done $0x0  }
0x11: {  	s11 =	simm.s32 $0x0;
	[sflag:s7] =	ssyncadd.s32 $0xFFFFE700  }
0x12: {  	v0 =	vld [tilespmem:s11+$0x18700];
	_ =	sdelay $0x7  }
0x13: {  	s12 =	simm.s32 $0x10;
	s13 =	simm.s32 $0x80;
	v0 =	vld.idx.msk [tilespmem:v0+s3+$0x0], $0xffff  }
.LBB2_2:
0x14: {  	p0 =	sne.s32 s13, $0x63C0;
	v1 =	vld [tilespmem:s12+$0x18700];
	_ =	sdelay $0x3  }
.Ltmp0:
0x15: {  	(pc) =	sbr.rel @p0 .LBB2_2-.Ltmp0, $2  }
0x16: {  	[tilespmem:s11+$0x1A000] =	vst v0;
	s11 =	smov.u32 s12;
	_ =	sdelay $0x2  }
0x17: {  	s12 =	sshra.s32 s13, $0x2;
	s13 =	sadd.s32 $0x40, s13;
	v0 =	vld.idx.msk [tilespmem:v1+s3+$0x0], $0xffff  }
0x18: {  	v1 =	vld [tilespmem:s12+$0x18700];
	_ =	sdelay $0x6  }
0x19: {  	[tilespmem:s11+$0x1A000] =	vst v0  }
0x1a: {  	v0 =	vld.idx.msk [tilespmem:v1+s3+$0x0], $0xffff;
	_ =	sdelay $0x2  }
0x1b: {  	s10 =	sadd.s32 $0x1, s10  }
0x1c: {  	p0 =	sne.s32 s10, s6  }
.Ltmp1:
0x1d: {  	[tilespmem:s12+$0x1A000] =	vst v0;
	(pc) =	sbr.rel @p0 .LBB2_1-.Ltmp1, $4  }
0x1e: {  	[hbm4b:s5+s3] =	stream.linear.scatter [tilespmem:s9], [sflag:$0x1], $0x1900, $0x38;
	[tilespmem:$0x1B900] =	vst v63  }
0x1f: {  	_ =	swait.ge [sflag:s7], $0x1900  }
0x20: {  	[sflag:s7] =	ssyncset.done $0x0  }
0x21: {  	[sflag:s7] =	ssyncadd.s32 $0xFFFFE700  }
0x22: {  	_ =	sfence.sel $0x180000  }
0x23: {  	[bflag:$0x0] =	sbarrier.arrive $0xFFFF  }
0x24: {  	p0 =	sne.s32 s0, $0x0;
	_ =	strace $0x90000047  }
0x25: {  	s0 =	sadd.s32 @!p0 $0x100000, s2;
	[bflag:$0x2] =	sbarrier.arrive $0xFFFF  }
0x26: {  	[sflag:s0] =	ssyncadd.tile.s32 @!p0 $0x1;
	_ =	shalt  }
.Lfunc_end2:
_tile_overlayer_lowered:
.L_overlay_start_2:
0x27: {  	(tag) =	ssettag $0x2  }
0x28: {  	s0 =	rddreg [dreg:$0x0];
	s2 =	stileid.u32  }
0x29: {  	s1 =	rddreg [dreg:$0x1];
	p0 =	sne.s32 s2, $0x0  }
0x2a: {  	s3 =	rddreg [dreg:$0x2];
	[bflag:$0x3] =	sbarrier.arrive $0xFFFF;
	s2 =	simm.s32 @!p0 $0x1C01  }
0x2b: {  	[timem:s3], [sflag:s2] =	dma.local @!p0 [hbm:s0], s1  }
0x2c: {  	s0 =	simm.s32 @!p0 $0x1  }
0x2d: {  	_ =	swait.ge @!p0 [sflag:s0], s1  }
0x2e: {  	s1 =	ssub.s32 @!p0 $0x0, s1;
	[sflag:s0] =	ssyncset.done @!p0 $0x0  }
0x2f: {  	[sflag:s0] =	ssyncadd.s32 @!p0 s1  }
0x30: {  	[bflag:$0x3] =	sbarrier.arrive $0xFFFF  }
0x31: {  	_ =	shalt  }

</sc_bundles>
